<compile_context>
chip_gen: v7x
topology: tpu7x:2x2x1
jax: 0.10.2.dev20260603
libtpu: 0.0.44.dev20260713+nightly
codegen_flags: <defaults>
</compile_context>

<pallas_src>
import functools

import jax
import jax.numpy as jnp
from jax import lax
from jax.experimental import pallas as pl
from jax.experimental.pallas import tpu as pltpu
from jax.experimental.pallas import tpu_sc as plsc

N = 512
E = 131072
NC = 2
NS = 16
NW = NC * NS
EPT = E // NW
CHUNK = 128
NCHUNK = EPT // CHUNK
ZSL = N * N // NS


def _sc_body(src_hbm, dst_hbm, zeros_hbm, out_hbm, src_v, dst_v, idx_v,
             ones_v, a_sh):
    c = lax.axis_index("c")
    s = lax.axis_index("s")
    wid = s * NC + c

    pltpu.sync_copy(zeros_hbm.at[pl.ds(s * ZSL, ZSL)],
                    a_sh.at[pl.ds(s * ZSL, ZSL)])

    base = wid * EPT
    pltpu.sync_copy(src_hbm.at[pl.ds(base, EPT)], src_v)
    pltpu.sync_copy(dst_hbm.at[pl.ds(base, EPT)], dst_v)

    for j in range(CHUNK // 16):
        ones_v[pl.ds(j * 16, 16)] = jnp.ones((16,), jnp.float32)

    def idx_body(t, carry):
        sv = src_v[pl.ds(t * 16, 16)]
        dv = dst_v[pl.ds(t * 16, 16)]
        row = t // (CHUNK // 16)
        col = (t % (CHUNK // 16)) * 16
        idx_v[row, pl.ds(col, 16)] = dv * N + sv
        return carry

    lax.fori_loop(0, EPT // 16, idx_body, 0)
    plsc.subcore_barrier()

    def scat_body(k, carry):
        pltpu.sync_copy(ones_v, a_sh.at[idx_v.at[k]], add=True)
        return carry

    lax.fori_loop(0, NCHUNK, scat_body, 0)
    plsc.subcore_barrier()

    off = c * (N * N) + s * ZSL
    pltpu.sync_copy(a_sh.at[pl.ds(s * ZSL, ZSL)], out_hbm.at[pl.ds(off, ZSL)])


@functools.cache
def _sc_build_fn():
    return pl.kernel(
        _sc_body,
        out_type=jax.ShapeDtypeStruct((NC * N * N,), jnp.float32),
        mesh=plsc.VectorSubcoreMesh(core_axis_name="c", subcore_axis_name="s",
                                    num_cores=NC, num_subcores=NS),
        scratch_types=[
            pltpu.VMEM((EPT,), jnp.int32),
            pltpu.VMEM((EPT,), jnp.int32),
            pltpu.VMEM((NCHUNK, CHUNK), jnp.int32),
            pltpu.VMEM((CHUNK,), jnp.float32),
            pltpu.VMEM_SHARED((N * N,), jnp.float32),
        ],
        name="edge_count_scatter",
    )


def _tc_body(a_ref, x_ref, w1, b1, w2, b2,
             wi1, wc1, wo1, cbi1, cbc1, cbo1, bi1, bc1, bo1, wco1,
             wi2, wc2, wo2, cbi2, cbc2, cbo2, bi2, bc2, bo2, wco2,
             linw, linb, out_ref):
    f32 = jnp.float32
    A = a_ref[0] + a_ref[1]
    deg = jnp.sum(A, axis=1, keepdims=True) + 2.0
    dinv = lax.rsqrt(deg)
    sc2 = 2.0 * dinv * dinv

    def conv(h, w, b):
        u = jnp.dot(h, w[...], preferred_element_type=f32)
        t = jnp.dot(A, dinv * u, preferred_element_type=f32,
                    precision=lax.Precision.HIGHEST)
        return dinv * t + sc2 * u + b[...]

    h = jax.nn.relu(conv(x_ref[...], w1, b1))
    h = jax.nn.relu(conv(h, w2, b2))

    def cell(h, wi, wc, wo, cbi, cbc, cbo, bi, bc, bo, wco):
        gi = jax.nn.sigmoid(
            jnp.dot(h, wi[...], preferred_element_type=f32) + cbi[...] + bi[...])
        gt = jnp.tanh(
            jnp.dot(h, wc[...], preferred_element_type=f32) + cbc[...] + bc[...])
        cst = gi * gt
        go = jax.nn.sigmoid(
            jnp.dot(h, wo[...], preferred_element_type=f32)
            + cbo[...] + wco[...] * cst + bo[...])
        return go * jnp.tanh(cst)

    h = cell(h, wi1, wc1, wo1, cbi1, cbc1, cbo1, bi1, bc1, bo1, wco1)
    h = cell(h, wi2, wc2, wo2, cbi2, cbc2, cbo2, bi2, bc2, bo2, wco2)
    out_ref[...] = (jnp.dot(jax.nn.relu(h), linw[...], preferred_element_type=f32)
                    + linb[...])


def kernel(x, edge_index, params):
    p = params
    src = edge_index[0].astype(jnp.int32)
    dst = edge_index[1].astype(jnp.int32)
    zeros_flat = jnp.zeros((N * N,), jnp.float32)
    a_parts = _sc_build_fn()(src, dst, zeros_flat).reshape(NC, N, N)

    row = lambda v: v.reshape(1, N)
    lin_w = jnp.concatenate(
        [p['lin_W'], jnp.zeros((N, 128 - p['lin_W'].shape[1]), jnp.float32)], axis=1)
    lin_b = jnp.concatenate(
        [p['lin_b'], jnp.zeros((128 - p['lin_b'].shape[0],), jnp.float32)]).reshape(1, 128)

    args = [a_parts, x,
            p['gcn1_W'], row(p['gcn1_b']), p['gcn2_W'], row(p['gcn2_b'])]
    for cell_name in ('lstm1', 'lstm2'):
        args += [p[cell_name + '_W_i'], p[cell_name + '_W_c'], p[cell_name + '_W_o'],
                 row(p[cell_name + '_cb_i']), row(p[cell_name + '_cb_c']),
                 row(p[cell_name + '_cb_o']),
                 p[cell_name + '_b_i'], p[cell_name + '_b_c'], p[cell_name + '_b_o'],
                 p[cell_name + '_wc_o']]
    args += [lin_w, lin_b]

    out = pl.pallas_call(
        _tc_body,
        out_shape=jax.ShapeDtypeStruct((N, 128), jnp.float32),
    )(*args)
    return out[:, :p['lin_W'].shape[1]]

# --- scband reference (transcript-rebuilt; emitter-appended) ---
"""Pipeline reference for scband-intent-predictor-66511863546288 (READ-ONLY COPY).

The authoritative reference and input builder live on the scoring server;
editing this copy changes nothing except your own understanding.
"""

import jax, jax.numpy as jnp
import numpy as np

D = 512
E = 131072
LIN_OUT = 3

def _glorot(key, shape):
    lim = float(np.sqrt(6.0 / (shape[0] + shape[1])))
    return jax.random.uniform(key, shape, jnp.float32, -lim, lim)

def _make_params():
    key = jax.random.key(1)
    ks = jax.random.split(key, 64)
    i = 0
    p = {}
    p['gcn1_W'] = _glorot(ks[i], (D, D)); i += 1
    p['gcn1_b'] = jnp.zeros((D,), jnp.float32)
    p['gcn2_W'] = _glorot(ks[i], (D, D)); i += 1
    p['gcn2_b'] = jnp.zeros((D,), jnp.float32)
    for cell in ('lstm1', 'lstm2'):
        for g in ('i', 'f', 'c', 'o'):
            p[cell + '_W_' + g] = _glorot(ks[i], (D, D)); i += 1
            p[cell + '_th_' + g] = _glorot(ks[i], (D, D)); i += 1
            p[cell + '_cb_' + g] = jnp.zeros((D,), jnp.float32)
            p[cell + '_b_' + g] = jnp.zeros((1, D), jnp.float32)
        for g in ('i', 'f', 'o'):
            p[cell + '_wc_' + g] = 0.1 * jax.random.normal(ks[i], (1, D), jnp.float32); i += 1
    p['lin_W'] = _glorot(ks[i], (D, LIN_OUT)); i += 1
    p['lin_b'] = jnp.zeros((LIN_OUT,), jnp.float32)
    return p

def setup_inputs(seed: int = 0):
    key = jax.random.key(seed)
    k1, k2 = jax.random.split(key)
    x = jax.random.normal(k1, (D, D), jnp.float32)
    edge_index = jax.random.randint(k2, (2, E), 0, D).astype(jnp.int64)
    return {'x': x, 'edge_index': edge_index, 'params': _make_params()}

def _gcn_conv(x, edge_index, W, b):
    # GCNConv with improved=True: A_hat = A + 2I, sym normalization
    N = x.shape[0]
    src = edge_index[0]
    dst = edge_index[1]
    loop = jnp.arange(N, dtype=edge_index.dtype)
    src_f = jnp.concatenate([src, loop])
    dst_f = jnp.concatenate([dst, loop])
    ew = jnp.concatenate([jnp.ones((src.shape[0],), jnp.float32), jnp.full((N,), 2.0, jnp.float32)])
    deg = jax.ops.segment_sum(ew, dst_f, num_segments=N)
    dinv = jnp.where(deg > 0, 1.0 / jnp.sqrt(deg), 0.0)
    norm = dinv[src_f] * ew * dinv[dst_f]
    h = x @ W
    out = jax.ops.segment_sum(h[src_f] * norm[:, None], dst_f, num_segments=N)
    return out + b

def _gclstm_cell(x, p, cell):
    # GCLSTM with K=1 ChebConv: conv(H) = H @ theta + bias (T_0(L) = I, no propagation)
    N = x.shape[0]
    H = jnp.zeros((N, D), jnp.float32)
    C = jnp.zeros((N, D), jnp.float32)
    def cheb1(Hh, g):
        return Hh @ p[cell + '_th_' + g] + p[cell + '_cb_' + g]
    I = jax.nn.sigmoid(x @ p[cell + '_W_i'] + cheb1(H, 'i') + p[cell + '_wc_i'] * C + p[cell + '_b_i'])
    Fg = jax.nn.sigmoid(x @ p[cell + '_W_f'] + cheb1(H, 'f') + p[cell + '_wc_f'] * C + p[cell + '_b_f'])
    T = jnp.tanh(x @ p[cell + '_W_c'] + cheb1(H, 'c') + p[cell + '_b_c'])
    C = Fg * C + I * T
    O = jax.nn.sigmoid(x @ p[cell + '_W_o'] + cheb1(H, 'o') + p[cell + '_wc_o'] * C + p[cell + '_b_o'])
    H = O * jnp.tanh(C)
    return H, C

def reference(x, edge_index, params):
    # pad x to [input_feat, input_feat] (no-op here since x is already square)
    x = jnp.concatenate([x, jnp.zeros((D - x.shape[0], x.shape[1]), x.dtype)], 0)
    x = jnp.concatenate([x, jnp.zeros((x.shape[0], D - x.shape[1]), x.dtype)], 1)
    x = jax.nn.relu(_gcn_conv(x, edge_index, params['gcn1_W'], params['gcn1_b']))
    x = jax.nn.relu(_gcn_conv(x, edge_index, params['gcn2_W'], params['gcn2_b']))
    h0, c0 = _gclstm_cell(x, params, 'lstm1')
    h1, c1 = _gclstm_cell(h0, params, 'lstm2')
    x = jax.nn.relu(h1)
    return x @ params['lin_W'] + params['lin_b']

if __name__ == "__main__":
    import jax
    _d = setup_inputs()
    print(jax.jit(kernel)(*tuple(_d.values())))

</pallas_src>

<mosaic_0001>
#map = affine_map<(d0, d1) -> (0)>
module attributes {stable_mosaic.version = 14 : i64} {
  func.func @edge_count_scatter(%arg0: i32, %arg1: i32, %arg2: memref<131072xi32, #tpu.memory_space<hbm>>, %arg3: memref<131072xi32, #tpu.memory_space<hbm>>, %arg4: memref<262144xf32, #tpu.memory_space<hbm>>, %arg5: memref<524288xf32, #tpu.memory_space<hbm>>, %arg6: memref<4096xi32, #tpu.memory_space<vmem>>, %arg7: memref<4096xi32, #tpu.memory_space<vmem>>, %arg8: memref<32x128xi32, #tpu.memory_space<vmem>>, %arg9: memref<128xf32, #tpu.memory_space<vmem>>, %arg10: memref<262144xf32, #tpu.memory_space<vmem_shared>>) attributes {dimension_semantics = [#tpu.dimension_semantics<core_parallel>, #tpu.dimension_semantics<subcore_parallel>], iteration_bounds = array<i64: 2, 16>, scalar_prefetch = 0 : i64, scratch_operands = 5 : i64, tpu.core_type = #tpu.core_type<sc_vector_subcore>, window_params = [{transform_indices = #map}, {transform_indices = #map}, {transform_indices = #map}, {transform_indices = #map}]} {
    %mul3A = arith.constant 2 : i32
    %mul3A_0 = arith.muli %arg1, %mul3A : i32
    %add3A = arith.addi %mul3A_0, %arg0 : i32
    %mul3A_1 = arith.constant 16384 : i32
    %mul3A_2 = arith.muli %arg1, %mul3A_1 : i32
    %mul3A_3 = arith.constant 16384 : i32
    %mul3A_4 = arith.muli %arg1, %mul3A_3 : i32
    "tpu.region"() ({
      %run_scoped3A = tpu.sem_alloc : memref<!tpu.dma_semaphore, #tpu.memory_space<semaphore_mem>>
      %dma_start3A = tpu.memref_slice %arg10[%mul3A_4] : memref<262144xf32, #tpu.memory_space<vmem_shared>> -> memref<16384xf32, #tpu.memory_space<vmem_shared>>
      %dma_start3A_72 = tpu.memref_slice %arg4[%mul3A_2] : memref<262144xf32, #tpu.memory_space<hbm>> -> memref<16384xf32, #tpu.memory_space<hbm>>
      tpu.enqueue_dma source(%dma_start3A_72 : memref<16384xf32, #tpu.memory_space<hbm>>) target(%dma_start3A : memref<16384xf32, #tpu.memory_space<vmem_shared>>) target_semaphore(%run_scoped3A : memref<!tpu.dma_semaphore, #tpu.memory_space<semaphore_mem>>)
      %dma_wait3A = tpu.memref_slice %arg10[%mul3A_4] : memref<262144xf32, #tpu.memory_space<vmem_shared>> -> memref<16384xf32, #tpu.memory_space<vmem_shared>>
      %dma_wait3A_73 = tpu.memref_slice %arg4[%mul3A_2] : memref<262144xf32, #tpu.memory_space<hbm>> -> memref<16384xf32, #tpu.memory_space<hbm>>
      tpu.wait_dma2 semaphore(%run_scoped3A : memref<!tpu.dma_semaphore, #tpu.memory_space<semaphore_mem>>) src(%dma_wait3A_73 : memref<16384xf32, #tpu.memory_space<hbm>>) dst(%dma_wait3A : memref<16384xf32, #tpu.memory_space<vmem_shared>>)
      tpu.yield
    }) : () -> ()
    %mul3A_5 = arith.constant 4096 : i32
    %mul3A_6 = arith.muli %add3A, %mul3A_5 : i32
    "tpu.region"() ({
      %run_scoped3A = tpu.sem_alloc : memref<!tpu.dma_semaphore, #tpu.memory_space<semaphore_mem>>
      %dma_start3A = tpu.memref_slice %arg2[%mul3A_6] : memref<131072xi32, #tpu.memory_space<hbm>> -> memref<4096xi32, #tpu.memory_space<hbm>>
      %dma_start3A_72 = tpu.memref_slice %arg2[%mul3A_6] : memref<131072xi32, #tpu.memory_space<hbm>> -> memref<4096xi32, #tpu.memory_space<hbm>>
      tpu.enqueue_dma source(%dma_start3A_72 : memref<4096xi32, #tpu.memory_space<hbm>>) target(%arg6 : memref<4096xi32, #tpu.memory_space<vmem>>) target_semaphore(%run_scoped3A : memref<!tpu.dma_semaphore, #tpu.memory_space<semaphore_mem>>)
      %dma_wait3A = tpu.memref_slice %arg2[%mul3A_6] : memref<131072xi32, #tpu.memory_space<hbm>> -> memref<4096xi32, #tpu.memory_space<hbm>>
      %dma_wait3A_73 = tpu.memref_slice %arg2[%mul3A_6] : memref<131072xi32, #tpu.memory_space<hbm>> -> memref<4096xi32, #tpu.memory_space<hbm>>
      tpu.wait_dma2 semaphore(%run_scoped3A : memref<!tpu.dma_semaphore, #tpu.memory_space<semaphore_mem>>) src(%dma_wait3A_73 : memref<4096xi32, #tpu.memory_space<hbm>>) dst(%arg6 : memref<4096xi32, #tpu.memory_space<vmem>>)
      tpu.yield
    }) : () -> ()
    "tpu.region"() ({
      %run_scoped3A = tpu.sem_alloc : memref<!tpu.dma_semaphore, #tpu.memory_space<semaphore_mem>>
      %dma_start3A = tpu.memref_slice %arg3[%mul3A_6] : memref<131072xi32, #tpu.memory_space<hbm>> -> memref<4096xi32, #tpu.memory_space<hbm>>
      %dma_start3A_72 = tpu.memref_slice %arg3[%mul3A_6] : memref<131072xi32, #tpu.memory_space<hbm>> -> memref<4096xi32, #tpu.memory_space<hbm>>
      tpu.enqueue_dma source(%dma_start3A_72 : memref<4096xi32, #tpu.memory_space<hbm>>) target(%arg7 : memref<4096xi32, #tpu.memory_space<vmem>>) target_semaphore(%run_scoped3A : memref<!tpu.dma_semaphore, #tpu.memory_space<semaphore_mem>>)
      %dma_wait3A = tpu.memref_slice %arg3[%mul3A_6] : memref<131072xi32, #tpu.memory_space<hbm>> -> memref<4096xi32, #tpu.memory_space<hbm>>
      %dma_wait3A_73 = tpu.memref_slice %arg3[%mul3A_6] : memref<131072xi32, #tpu.memory_space<hbm>> -> memref<4096xi32, #tpu.memory_space<hbm>>
      tpu.wait_dma2 semaphore(%run_scoped3A : memref<!tpu.dma_semaphore, #tpu.memory_space<semaphore_mem>>) src(%dma_wait3A_73 : memref<4096xi32, #tpu.memory_space<hbm>>) dst(%arg7 : memref<4096xi32, #tpu.memory_space<vmem>>)
      tpu.yield
    }) : () -> ()
    %broadcast_in_dim3A = arith.constant 1.000000e+00 : f32
    %broadcast_in_dim3A_7 = vector.broadcast %broadcast_in_dim3A : f32 to vector<16xf32>
    %swap3A = arith.constant 0 : index
    %swap3A_8 = tpu.vector_load %arg9[%swap3A] {strides = array<i32>} : memref<128xf32, #tpu.memory_space<vmem>>, vector<16xf32>,
    %swap3A_9 = vector.shape_cast %swap3A_8 : vector<16xf32> to vector<16xf32>
    %swap3A_10 = vector.shape_cast %broadcast_in_dim3A_7 : vector<16xf32> to vector<16xf32>
    tpu.vector_store %arg9[%swap3A], %swap3A_10 {strides = array<i32>} : memref<128xf32, #tpu.memory_space<vmem>>, vector<16xf32>,
    %broadcast_in_dim3A_11 = arith.constant 1.000000e+00 : f32
    %broadcast_in_dim3A_12 = vector.broadcast %broadcast_in_dim3A_11 : f32 to vector<16xf32>
    %swap3A_13 = arith.constant 16 : index
    %swap3A_14 = tpu.vector_load %arg9[%swap3A_13] {strides = array<i32>} : memref<128xf32, #tpu.memory_space<vmem>>, vector<16xf32>,
    %swap3A_15 = vector.shape_cast %swap3A_14 : vector<16xf32> to vector<16xf32>
    %swap3A_16 = vector.shape_cast %broadcast_in_dim3A_12 : vector<16xf32> to vector<16xf32>
    tpu.vector_store %arg9[%swap3A_13], %swap3A_16 {strides = array<i32>} : memref<128xf32, #tpu.memory_space<vmem>>, vector<16xf32>,
    %broadcast_in_dim3A_17 = arith.constant 1.000000e+00 : f32
    %broadcast_in_dim3A_18 = vector.broadcast %broadcast_in_dim3A_17 : f32 to vector<16xf32>
    %swap3A_19 = arith.constant 32 : index
    %swap3A_20 = tpu.vector_load %arg9[%swap3A_19] {strides = array<i32>} : memref<128xf32, #tpu.memory_space<vmem>>, vector<16xf32>,
    %swap3A_21 = vector.shape_cast %swap3A_20 : vector<16xf32> to vector<16xf32>
    %swap3A_22 = vector.shape_cast %broadcast_in_dim3A_18 : vector<16xf32> to vector<16xf32>
    tpu.vector_store %arg9[%swap3A_19], %swap3A_22 {strides = array<i32>} : memref<128xf32, #tpu.memory_space<vmem>>, vector<16xf32>,
    %broadcast_in_dim3A_23 = arith.constant 1.000000e+00 : f32
    %broadcast_in_dim3A_24 = vector.broadcast %broadcast_in_dim3A_23 : f32 to vector<16xf32>
    %swap3A_25 = arith.constant 48 : index
    %swap3A_26 = tpu.vector_load %arg9[%swap3A_25] {strides = array<i32>} : memref<128xf32, #tpu.memory_space<vmem>>, vector<16xf32>,
    %swap3A_27 = vector.shape_cast %swap3A_26 : vector<16xf32> to vector<16xf32>
    %swap3A_28 = vector.shape_cast %broadcast_in_dim3A_24 : vector<16xf32> to vector<16xf32>
    tpu.vector_store %arg9[%swap3A_25], %swap3A_28 {strides = array<i32>} : memref<128xf32, #tpu.memory_space<vmem>>, vector<16xf32>,
    %broadcast_in_dim3A_29 = arith.constant 1.000000e+00 : f32
    %broadcast_in_dim3A_30 = vector.broadcast %broadcast_in_dim3A_29 : f32 to vector<16xf32>
    %swap3A_31 = arith.constant 64 : index
    %swap3A_32 = tpu.vector_load %arg9[%swap3A_31] {strides = array<i32>} : memref<128xf32, #tpu.memory_space<vmem>>, vector<16xf32>,
    %swap3A_33 = vector.shape_cast %swap3A_32 : vector<16xf32> to vector<16xf32>
    %swap3A_34 = vector.shape_cast %broadcast_in_dim3A_30 : vector<16xf32> to vector<16xf32>
    tpu.vector_store %arg9[%swap3A_31], %swap3A_34 {strides = array<i32>} : memref<128xf32, #tpu.memory_space<vmem>>, vector<16xf32>,
    %broadcast_in_dim3A_35 = arith.constant 1.000000e+00 : f32
    %broadcast_in_dim3A_36 = vector.broadcast %broadcast_in_dim3A_35 : f32 to vector<16xf32>
    %swap3A_37 = arith.constant 80 : index
    %swap3A_38 = tpu.vector_load %arg9[%swap3A_37] {strides = array<i32>} : memref<128xf32, #tpu.memory_space<vmem>>, vector<16xf32>,
    %swap3A_39 = vector.shape_cast %swap3A_38 : vector<16xf32> to vector<16xf32>
    %swap3A_40 = vector.shape_cast %broadcast_in_dim3A_36 : vector<16xf32> to vector<16xf32>
    tpu.vector_store %arg9[%swap3A_37], %swap3A_40 {strides = array<i32>} : memref<128xf32, #tpu.memory_space<vmem>>, vector<16xf32>,
    %broadcast_in_dim3A_41 = arith.constant 1.000000e+00 : f32
    %broadcast_in_dim3A_42 = vector.broadcast %broadcast_in_dim3A_41 : f32 to vector<16xf32>
    %swap3A_43 = arith.constant 96 : index
    %swap3A_44 = tpu.vector_load %arg9[%swap3A_43] {strides = array<i32>} : memref<128xf32, #tpu.memory_space<vmem>>, vector<16xf32>,
    %swap3A_45 = vector.shape_cast %swap3A_44 : vector<16xf32> to vector<16xf32>
    %swap3A_46 = vector.shape_cast %broadcast_in_dim3A_42 : vector<16xf32> to vector<16xf32>
    tpu.vector_store %arg9[%swap3A_43], %swap3A_46 {strides = array<i32>} : memref<128xf32, #tpu.memory_space<vmem>>, vector<16xf32>,
    %broadcast_in_dim3A_47 = arith.constant 1.000000e+00 : f32
    %broadcast_in_dim3A_48 = vector.broadcast %broadcast_in_dim3A_47 : f32 to vector<16xf32>
    %swap3A_49 = arith.constant 112 : index
    %swap3A_50 = tpu.vector_load %arg9[%swap3A_49] {strides = array<i32>} : memref<128xf32, #tpu.memory_space<vmem>>, vector<16xf32>,
    %swap3A_51 = vector.shape_cast %swap3A_50 : vector<16xf32> to vector<16xf32>
    %swap3A_52 = vector.shape_cast %broadcast_in_dim3A_48 : vector<16xf32> to vector<16xf32>
    tpu.vector_store %arg9[%swap3A_49], %swap3A_52 {strides = array<i32>} : memref<128xf32, #tpu.memory_space<vmem>>, vector<16xf32>,
    %scan3A = arith.constant 0 : i32
    %scan3A_53 = arith.constant 0 : i32
    %scan3A_54 = arith.constant 256 : i32
    %scan3A_55 = arith.addi %scan3A_53, %scan3A_54 : i32
    %scan3A_56 = arith.constant 1 : i32
    scf.for %scan3A_72 = %scan3A_53 to %scan3A_55 step %scan3A_56  : i32 {
      %mul3A_73 = arith.constant 16 : i32
      %mul3A_74 = arith.muli %scan3A_72, %mul3A_73 : i32
      %get3A = arith.index_cast %mul3A_74 : i32 to index
      %get3A_75 = tpu.vector_load %arg6[%get3A] {strides = array<i32>} : memref<4096xi32, #tpu.memory_space<vmem>>, vector<16xi32>,
      %get3A_76 = vector.shape_cast %get3A_75 : vector<16xi32> to vector<16xi32>
      %mul3A_77 = arith.constant 16 : i32
      %mul3A_78 = arith.muli %scan3A_72, %mul3A_77 : i32
      %get3A_79 = arith.index_cast %mul3A_78 : i32 to index
      %get3A_80 = tpu.vector_load %arg7[%get3A_79] {strides = array<i32>} : memref<4096xi32, #tpu.memory_space<vmem>>, vector<16xi32>,
      %get3A_81 = vector.shape_cast %get3A_80 : vector<16xi32> to vector<16xi32>
      %jit3A = arith.constant 8 : i32
      %div3A = arith.divsi %scan3A_72, %jit3A : i32
      %sign3A = arith.constant 0 : i32
      %sign3A_82 = arith.cmpi sgt, %scan3A_72, %sign3A : i32
      %sign3A_83 = arith.extui %sign3A_82 : i1 to i32
      %sign3A_84 = arith.constant 0 : i32
      %sign3A_85 = arith.cmpi slt, %scan3A_72, %sign3A_84 : i32
      %sign3A_86 = arith.extui %sign3A_85 : i1 to i32
      %sign3A_87 = arith.subi %sign3A_83, %sign3A_86 : i32
      %sign3A_88 = arith.constant 0 : i32
      %sign3A_89 = arith.cmpi sgt, %jit3A, %sign3A_88 : i32
      %sign3A_90 = arith.extui %sign3A_89 : i1 to i32
      %sign3A_91 = arith.constant 0 : i32
      %sign3A_92 = arith.cmpi slt, %jit3A, %sign3A_91 : i32
      %sign3A_93 = arith.extui %sign3A_92 : i1 to i32
      %sign3A_94 = arith.subi %sign3A_90, %sign3A_93 : i32
      %ne3A = arith.cmpi ne, %sign3A_87, %sign3A_94 : i32
      %rem3A = arith.remsi %scan3A_72, %jit3A : i32
      %ne3A_95 = arith.constant 0 : i32
      %ne3A_96 = arith.cmpi ne, %rem3A, %ne3A_95 : i32
      %and3A = arith.andi %ne3A, %ne3A_96 : i1
      %sub3A = arith.constant 1 : i32
      %sub3A_97 = arith.subi %div3A, %sub3A : i32
      %select_n3A = arith.select %and3A, %sub3A_97, %div3A : i32
      %jit3A_98 = arith.constant 8 : i32
      %eq3A = arith.constant 0 : i32
      %eq3A_99 = arith.cmpi eq, %jit3A_98, %eq3A : i32
      %jit3A_100 = arith.constant 1 : i32
      %select_n3A_101 = arith.select %eq3A_99, %jit3A_100, %jit3A_98 : i32
      %rem3A_102 = arith.remsi %scan3A_72, %select_n3A_101 : i32
      %ne3A_103 = arith.constant 0 : i32
      %ne3A_104 = arith.cmpi ne, %rem3A_102, %ne3A_103 : i32
      %lt3A = arith.constant 0 : i32
      %lt3A_105 = arith.cmpi slt, %rem3A_102, %lt3A : i32
      %lt3A_106 = arith.constant 0 : i32
      %lt3A_107 = arith.cmpi slt, %select_n3A_101, %lt3A_106 : i32
      %ne3A_108 = arith.xori %lt3A_105, %lt3A_107 : i1
      %and3A_109 = arith.andi %ne3A_108, %ne3A_104 : i1
      %add3A_110 = arith.addi %rem3A_102, %select_n3A_101 : i32
      %select_n3A_111 = arith.select %and3A_109, %add3A_110, %rem3A_102 : i32
      %mul3A_112 = arith.constant 16 : i32
      %mul3A_113 = arith.muli %select_n3A_111, %mul3A_112 : i32
      %mul3A_114 = arith.constant 512 : i32
      %mul3A_115 = vector.broadcast %mul3A_114 : i32 to vector<16xi32>
      %mul3A_116 = arith.muli %get3A_81, %mul3A_115 : vector<16xi32>
      %add3A_117 = arith.addi %mul3A_116, %get3A_76 : vector<16xi32>
      %swap3A_118 = arith.index_cast %select_n3A : i32 to index
      %swap3A_119 = arith.index_cast %mul3A_113 : i32 to index
      %swap3A_120 = tpu.vector_load %arg8[%swap3A_118, %swap3A_119] {strides = array<i32>} : memref<32x128xi32, #tpu.memory_space<vmem>>, vector<1x16xi32>,
      %swap3A_121 = vector.shape_cast %swap3A_120 : vector<1x16xi32> to vector<16xi32>
      %swap3A_122 = vector.shape_cast %add3A_117 : vector<16xi32> to vector<1x16xi32>
      tpu.vector_store %arg8[%swap3A_118, %swap3A_119], %swap3A_122 {strides = array<i32>} : memref<32x128xi32, #tpu.memory_space<vmem>>, vector<1x16xi32>,
    }
    %scan3A_57 = arith.constant 256 : i32
    %barrier3A = arith.constant 0 : index
    tpu.barrier barrier_id(%barrier3A)
    %scan3A_58 = arith.constant 0 : i32
    %scan3A_59 = arith.constant 0 : i32
    %scan3A_60 = arith.constant 32 : i32
    %scan3A_61 = arith.addi %scan3A_59, %scan3A_60 : i32
    %scan3A_62 = arith.constant 1 : i32
    scf.for %scan3A_72 = %scan3A_59 to %scan3A_61 step %scan3A_62  : i32 {
      "tpu.region"() ({
        %run_scoped3A = tpu.sem_alloc : memref<!tpu.dma_semaphore, #tpu.memory_space<semaphore_mem>>
        %dma_start3A = arith.constant 0 : i32
        %dma_start3A_73 = tpu.memref_slice %arg8[%scan3A_72, %dma_start3A] : memref<32x128xi32, #tpu.memory_space<vmem>> -> memref<1x128xi32, #tpu.memory_space<vmem>>
        %dma_start3A_74 = tpu.memref_squeeze %dma_start3A_73 : memref<1x128xi32, #tpu.memory_space<vmem>> -> memref<128xi32, #tpu.memory_space<vmem>>
        %dma_start3A_75 = arith.constant 0 : i32
        %dma_start3A_76 = tpu.memref_slice %arg10[%dma_start3A_75] : memref<262144xf32, #tpu.memory_space<vmem_shared>> -> memref<262144xf32, #tpu.memory_space<vmem_shared>>
        tpu.enqueue_indirect_dma source(%arg9 : memref<128xf32, #tpu.memory_space<vmem>>) target(%dma_start3A_76 : memref<262144xf32, #tpu.memory_space<vmem_shared>>) offsets(%dma_start3A_74 : memref<128xi32, #tpu.memory_space<vmem>>) semaphore(%run_scoped3A : memref<!tpu.dma_semaphore, #tpu.memory_space<semaphore_mem>>) {add = true}
        %dma_wait3A = arith.constant 0 : i32
        %dma_wait3A_77 = tpu.memref_slice %arg8[%scan3A_72, %dma_wait3A] : memref<32x128xi32, #tpu.memory_space<vmem>> -> memref<1x128xi32, #tpu.memory_space<vmem>>
        %dma_wait3A_78 = tpu.memref_squeeze %dma_wait3A_77 : memref<1x128xi32, #tpu.memory_space<vmem>> -> memref<128xi32, #tpu.memory_space<vmem>>
        %dma_wait3A_79 = arith.constant 0 : i32
        %dma_wait3A_80 = tpu.memref_slice %arg10[%dma_wait3A_79] : memref<262144xf32, #tpu.memory_space<vmem_shared>> -> memref<262144xf32, #tpu.memory_space<vmem_shared>>
        tpu.wait_indirect_dma semaphore(%run_scoped3A : memref<!tpu.dma_semaphore, #tpu.memory_space<semaphore_mem>>) src(%arg9 : memref<128xf32, #tpu.memory_space<vmem>>) dst(%dma_wait3A_80 : memref<262144xf32, #tpu.memory_space<vmem_shared>>)
        tpu.yield
      }) : () -> ()
    }
    %scan3A_63 = arith.constant 32 : i32
    %barrier3A_64 = arith.constant 0 : index
    tpu.barrier barrier_id(%barrier3A_64)
    %mul3A_65 = arith.constant 262144 : i32
    %mul3A_66 = arith.muli %arg0, %mul3A_65 : i32
    %mul3A_67 = arith.constant 16384 : i32
    %mul3A_68 = arith.muli %arg1, %mul3A_67 : i32
    %add3A_69 = arith.addi %mul3A_66, %mul3A_68 : i32
    %mul3A_70 = arith.constant 16384 : i32
    %mul3A_71 = arith.muli %arg1, %mul3A_70 : i32
    "tpu.region"() ({
      %run_scoped3A = tpu.sem_alloc : memref<!tpu.dma_semaphore, #tpu.memory_space<semaphore_mem>>
      %dma_start3A = tpu.memref_slice %arg5[%add3A_69] : memref<524288xf32, #tpu.memory_space<hbm>> -> memref<16384xf32, #tpu.memory_space<hbm>>
      %dma_start3A_72 = tpu.memref_slice %arg10[%mul3A_71] : memref<262144xf32, #tpu.memory_space<vmem_shared>> -> memref<16384xf32, #tpu.memory_space<vmem_shared>>
      tpu.enqueue_dma source(%dma_start3A_72 : memref<16384xf32, #tpu.memory_space<vmem_shared>>) target(%dma_start3A : memref<16384xf32, #tpu.memory_space<hbm>>) target_semaphore(%run_scoped3A : memref<!tpu.dma_semaphore, #tpu.memory_space<semaphore_mem>>)
      %dma_wait3A = tpu.memref_slice %arg5[%add3A_69] : memref<524288xf32, #tpu.memory_space<hbm>> -> memref<16384xf32, #tpu.memory_space<hbm>>
      %dma_wait3A_73 = tpu.memref_slice %arg10[%mul3A_71] : memref<262144xf32, #tpu.memory_space<vmem_shared>> -> memref<16384xf32, #tpu.memory_space<vmem_shared>>
      tpu.wait_dma2 semaphore(%run_scoped3A : memref<!tpu.dma_semaphore, #tpu.memory_space<semaphore_mem>>) src(%dma_wait3A_73 : memref<16384xf32, #tpu.memory_space<vmem_shared>>) dst(%dma_wait3A : memref<16384xf32, #tpu.memory_space<hbm>>)
      tpu.yield
    }) : () -> ()
    return
  }
}

module attributes {stable_mosaic.version = 14 : i64} {
  func.func @_tc_body(%arg0: memref<2x512x512xf32, #tpu.memory_space<vmem>>, %arg1: memref<512x512xf32, #tpu.memory_space<vmem>>, %arg2: memref<512x512xf32, #tpu.memory_space<vmem>>, %arg3: memref<1x512xf32, #tpu.memory_space<vmem>>, %arg4: memref<512x512xf32, #tpu.memory_space<vmem>>, %arg5: memref<1x512xf32, #tpu.memory_space<vmem>>, %arg6: memref<512x512xf32, #tpu.memory_space<vmem>>, %arg7: memref<512x512xf32, #tpu.memory_space<vmem>>, %arg8: memref<512x512xf32, #tpu.memory_space<vmem>>, %arg9: memref<1x512xf32, #tpu.memory_space<vmem>>, %arg10: memref<1x512xf32, #tpu.memory_space<vmem>>, %arg11: memref<1x512xf32, #tpu.memory_space<vmem>>, %arg12: memref<1x512xf32, #tpu.memory_space<vmem>>, %arg13: memref<1x512xf32, #tpu.memory_space<vmem>>, %arg14: memref<1x512xf32, #tpu.memory_space<vmem>>, %arg15: memref<1x512xf32, #tpu.memory_space<vmem>>, %arg16: memref<512x512xf32, #tpu.memory_space<vmem>>, %arg17: memref<512x512xf32, #tpu.memory_space<vmem>>, %arg18: memref<512x512xf32, #tpu.memory_space<vmem>>, %arg19: memref<1x512xf32, #tpu.memory_space<vmem>>, %arg20: memref<1x512xf32, #tpu.memory_space<vmem>>, %arg21: memref<1x512xf32, #tpu.memory_space<vmem>>, %arg22: memref<1x512xf32, #tpu.memory_space<vmem>>, %arg23: memref<1x512xf32, #tpu.memory_space<vmem>>, %arg24: memref<1x512xf32, #tpu.memory_space<vmem>>, %arg25: memref<1x512xf32, #tpu.memory_space<vmem>>, %arg26: memref<512x128xf32, #tpu.memory_space<vmem>>, %arg27: memref<1x128xf32, #tpu.memory_space<vmem>>, %arg28: memref<512x128xf32, #tpu.memory_space<vmem>>) attributes {dimension_semantics = [], scalar_prefetch = 0 : i64, scratch_operands = 0 : i64, tpu.core_type = #tpu.core_type<tc>} {
    %get3A = arith.constant 0 : index
    %get3A_0 = arith.constant 0 : index
    %get3A_1 = arith.constant 0 : index
    %get3A_2 = vector.load %arg0[%get3A, %get3A_0, %get3A_1] : memref<2x512x512xf32, #tpu.memory_space<vmem>>, vector<1x512x512xf32>
    %get3A_3 = vector.shape_cast %get3A_2 : vector<1x512x512xf32> to vector<512x512xf32>
    %get3A_4 = arith.constant 1 : index
    %get3A_5 = arith.constant 0 : index
    %get3A_6 = arith.constant 0 : index
    %get3A_7 = vector.load %arg0[%get3A_4, %get3A_5, %get3A_6] : memref<2x512x512xf32, #tpu.memory_space<vmem>>, vector<1x512x512xf32>
    %get3A_8 = vector.shape_cast %get3A_7 : vector<1x512x512xf32> to vector<512x512xf32>
    %add3A = arith.addf %get3A_3, %get3A_8 : vector<512x512xf32>
    %reduce_sum3A = arith.constant dense<0.000000e+00> : vector<512xf32>
    %reduce_sum3A_9 = vector.multi_reduction <add>, %add3A, %reduce_sum3A [1] : vector<512x512xf32> to vector<512xf32>
    %broadcast_in_dim3A = vector.shape_cast %reduce_sum3A_9 : vector<512xf32> to vector<512x1xf32>
    %add3A_10 = arith.constant 2.000000e+00 : f32
    %add3A_11 = vector.broadcast %add3A_10 : f32 to vector<512x1xf32>
    %add3A_12 = arith.addf %broadcast_in_dim3A, %add3A_11 : vector<512x1xf32>
    %rsqrt3A = math.rsqrt %add3A_12 : vector<512x1xf32>
    %mul3A = arith.constant 2.000000e+00 : f32
    %mul3A_13 = vector.broadcast %mul3A : f32 to vector<512x1xf32>
    %mul3A_14 = arith.mulf %mul3A_13, %rsqrt3A : vector<512x1xf32>
    %mul3A_15 = arith.mulf %mul3A_14, %rsqrt3A : vector<512x1xf32>
    %get3A_16 = arith.constant 0 : index
    %get3A_17 = arith.constant 0 : index
    %get3A_18 = vector.load %arg1[%get3A_16, %get3A_17] : memref<512x512xf32, #tpu.memory_space<vmem>>, vector<512x512xf32>
    %get3A_19 = arith.constant 0 : index
    %get3A_20 = arith.constant 0 : index
    %get3A_21 = vector.load %arg2[%get3A_19, %get3A_20] : memref<512x512xf32, #tpu.memory_space<vmem>>, vector<512x512xf32>
    %dot_general3A = arith.constant dense<0.000000e+00> : vector<512x512xf32>
    %dot_general3A_22 = tpu.matmul %get3A_18, %get3A_21, %dot_general3A {dimension_numbers = #tpu.dot_dimension_numbers<[1], [0], [0], [1], [0, 0, 1, 1], [], []>, transpose_lhs_hint = false} : vector<512x512xf32>, vector<512x512xf32>, vector<512x512xf32> -> vector<512x512xf32>
    %mul3A_23 = vector.broadcast %rsqrt3A : vector<512x1xf32> to vector<512x512xf32>
    %mul3A_24 = arith.mulf %mul3A_23, %dot_general3A_22 : vector<512x512xf32>
    %dot_general3A_25 = arith.constant dense<0.000000e+00> : vector<512x512xf32>
    %dot_general3A_26 = tpu.matmul %add3A, %mul3A_24, %dot_general3A_25 {dimension_numbers = #tpu.dot_dimension_numbers<[1], [0], [0], [1], [0, 0, 1, 1], [], []>, precision = #tpu.contract_precision<fp32>, transpose_lhs_hint = false} : vector<512x512xf32>, vector<512x512xf32>, vector<512x512xf32> -> vector<512x512xf32>
    %mul3A_27 = vector.broadcast %rsqrt3A : vector<512x1xf32> to vector<512x512xf32>
    %mul3A_28 = arith.mulf %mul3A_27, %dot_general3A_26 : vector<512x512xf32>
    %mul3A_29 = vector.broadcast %mul3A_15 : vector<512x1xf32> to vector<512x512xf32>
    %mul3A_30 = arith.mulf %mul3A_29, %dot_general3A_22 : vector<512x512xf32>
    %add3A_31 = arith.addf %mul3A_28, %mul3A_30 : vector<512x512xf32>
    %get3A_32 = arith.constant 0 : index
    %get3A_33 = arith.constant 0 : index
    %get3A_34 = vector.load %arg3[%get3A_32, %get3A_33] : memref<1x512xf32, #tpu.memory_space<vmem>>, vector<1x512xf32>
    %add3A_35 = vector.broadcast %get3A_34 : vector<1x512xf32> to vector<512x512xf32>
    %add3A_36 = arith.addf %add3A_31, %add3A_35 : vector<512x512xf32>
    %max3A = arith.constant 0.000000e+00 : f32
    %max3A_37 = vector.broadcast %max3A : f32 to vector<512x512xf32>
    %max3A_38 = arith.maximumf %add3A_36, %max3A_37 : vector<512x512xf32>
    %get3A_39 = arith.constant 0 : index
    %get3A_40 = arith.constant 0 : index
    %get3A_41 = vector.load %arg4[%get3A_39, %get3A_40] : memref<512x512xf32, #tpu.memory_space<vmem>>, vector<512x512xf32>
    %dot_general3A_42 = arith.constant dense<0.000000e+00> : vector<512x512xf32>
    %dot_general3A_43 = tpu.matmul %max3A_38, %get3A_41, %dot_general3A_42 {dimension_numbers = #tpu.dot_dimension_numbers<[1], [0], [0], [1], [0, 0, 1, 1], [], []>, transpose_lhs_hint = false} : vector<512x512xf32>, vector<512x512xf32>, vector<512x512xf32> -> vector<512x512xf32>
    %mul3A_44 = vector.broadcast %rsqrt3A : vector<512x1xf32> to vector<512x512xf32>
    %mul3A_45 = arith.mulf %mul3A_44, %dot_general3A_43 : vector<512x512xf32>
    %dot_general3A_46 = arith.constant dense<0.000000e+00> : vector<512x512xf32>
    %dot_general3A_47 = tpu.matmul %add3A, %mul3A_45, %dot_general3A_46 {dimension_numbers = #tpu.dot_dimension_numbers<[1], [0], [0], [1], [0, 0, 1, 1], [], []>, precision = #tpu.contract_precision<fp32>, transpose_lhs_hint = false} : vector<512x512xf32>, vector<512x512xf32>, vector<512x512xf32> -> vector<512x512xf32>
    %mul3A_48 = vector.broadcast %rsqrt3A : vector<512x1xf32> to vector<512x512xf32>
    %mul3A_49 = arith.mulf %mul3A_48, %dot_general3A_47 : vector<512x512xf32>
    %mul3A_50 = vector.broadcast %mul3A_15 : vector<512x1xf32> to vector<512x512xf32>
    %mul3A_51 = arith.mulf %mul3A_50, %dot_general3A_43 : vector<512x512xf32>
    %add3A_52 = arith.addf %mul3A_49, %mul3A_51 : vector<512x512xf32>
    %get3A_53 = arith.constant 0 : index
    %get3A_54 = arith.constant 0 : index
    %get3A_55 = vector.load %arg5[%get3A_53, %get3A_54] : memref<1x512xf32, #tpu.memory_space<vmem>>, vector<1x512xf32>
    %add3A_56 = vector.broadcast %get3A_55 : vector<1x512xf32> to vector<512x512xf32>
    %add3A_57 = arith.addf %add3A_52, %add3A_56 : vector<512x512xf32>
    %max3A_58 = arith.constant 0.000000e+00 : f32
    %max3A_59 = vector.broadcast %max3A_58 : f32 to vector<512x512xf32>
    %max3A_60 = arith.maximumf %add3A_57, %max3A_59 : vector<512x512xf32>
    %get3A_61 = arith.constant 0 : index
    %get3A_62 = arith.constant 0 : index
    %get3A_63 = vector.load %arg6[%get3A_61, %get3A_62] : memref<512x512xf32, #tpu.memory_space<vmem>>, vector<512x512xf32>
    %dot_general3A_64 = arith.constant dense<0.000000e+00> : vector<512x512xf32>
    %dot_general3A_65 = tpu.matmul %max3A_60, %get3A_63, %dot_general3A_64 {dimension_numbers = #tpu.dot_dimension_numbers<[1], [0], [0], [1], [0, 0, 1, 1], [], []>, transpose_lhs_hint = false} : vector<512x512xf32>, vector<512x512xf32>, vector<512x512xf32> -> vector<512x512xf32>
    %get3A_66 = arith.constant 0 : index
    %get3A_67 = arith.constant 0 : index
    %get3A_68 = vector.load %arg9[%get3A_66, %get3A_67] : memref<1x512xf32, #tpu.memory_space<vmem>>, vector<1x512xf32>
    %add3A_69 = vector.broadcast %get3A_68 : vector<1x512xf32> to vector<512x512xf32>
    %add3A_70 = arith.addf %dot_general3A_65, %add3A_69 : vector<512x512xf32>
    %get3A_71 = arith.constant 0 : index
    %get3A_72 = arith.constant 0 : index
    %get3A_73 = vector.load %arg12[%get3A_71, %get3A_72] : memref<1x512xf32, #tpu.memory_space<vmem>>, vector<1x512xf32>
    %add3A_74 = vector.broadcast %get3A_73 : vector<1x512xf32> to vector<512x512xf32>
    %add3A_75 = arith.addf %add3A_70, %add3A_74 : vector<512x512xf32>
    %logistic3A = arith.negf %add3A_75 : vector<512x512xf32>
    %logistic3A_76 = math.exp %logistic3A : vector<512x512xf32>
    %logistic3A_77 = arith.constant 1.000000e+00 : f32
    %logistic3A_78 = vector.broadcast %logistic3A_77 : f32 to vector<512x512xf32>
    %logistic3A_79 = arith.addf %logistic3A_78, %logistic3A_76 : vector<512x512xf32>
    %logistic3A_80 = arith.divf %logistic3A_78, %logistic3A_79 : vector<512x512xf32>
    %get3A_81 = arith.constant 0 : index
    %get3A_82 = arith.constant 0 : index
    %get3A_83 = vector.load %arg7[%get3A_81, %get3A_82] : memref<512x512xf32, #tpu.memory_space<vmem>>, vector<512x512xf32>
    %dot_general3A_84 = arith.constant dense<0.000000e+00> : vector<512x512xf32>
    %dot_general3A_85 = tpu.matmul %max3A_60, %get3A_83, %dot_general3A_84 {dimension_numbers = #tpu.dot_dimension_numbers<[1], [0], [0], [1], [0, 0, 1, 1], [], []>, transpose_lhs_hint = false} : vector<512x512xf32>, vector<512x512xf32>, vector<512x512xf32> -> vector<512x512xf32>
    %get3A_86 = arith.constant 0 : index
    %get3A_87 = arith.constant 0 : index
    %get3A_88 = vector.load %arg10[%get3A_86, %get3A_87] : memref<1x512xf32, #tpu.memory_space<vmem>>, vector<1x512xf32>
    %add3A_89 = vector.broadcast %get3A_88 : vector<1x512xf32> to vector<512x512xf32>
    %add3A_90 = arith.addf %dot_general3A_85, %add3A_89 : vector<512x512xf32>
    %get3A_91 = arith.constant 0 : index
    %get3A_92 = arith.constant 0 : index
    %get3A_93 = vector.load %arg13[%get3A_91, %get3A_92] : memref<1x512xf32, #tpu.memory_space<vmem>>, vector<1x512xf32>
    %add3A_94 = vector.broadcast %get3A_93 : vector<1x512xf32> to vector<512x512xf32>
    %add3A_95 = arith.addf %add3A_90, %add3A_94 : vector<512x512xf32>
    %tanh3A = math.tanh %add3A_95 : vector<512x512xf32>
    %mul3A_96 = arith.mulf %logistic3A_80, %tanh3A : vector<512x512xf32>
    %get3A_97 = arith.constant 0 : index
    %get3A_98 = arith.constant 0 : index
    %get3A_99 = vector.load %arg8[%get3A_97, %get3A_98] : memref<512x512xf32, #tpu.memory_space<vmem>>, vector<512x512xf32>
    %dot_general3A_100 = arith.constant dense<0.000000e+00> : vector<512x512xf32>
    %dot_general3A_101 = tpu.matmul %max3A_60, %get3A_99, %dot_general3A_100 {dimension_numbers = #tpu.dot_dimension_numbers<[1], [0], [0], [1], [0, 0, 1, 1], [], []>, transpose_lhs_hint = false} : vector<512x512xf32>, vector<512x512xf32>, vector<512x512xf32> -> vector<512x512xf32>
    %get3A_102 = arith.constant 0 : index
    %get3A_103 = arith.constant 0 : index
    %get3A_104 = vector.load %arg11[%get3A_102, %get3A_103] : memref<1x512xf32, #tpu.memory_space<vmem>>, vector<1x512xf32>
    %add3A_105 = vector.broadcast %get3A_104 : vector<1x512xf32> to vector<512x512xf32>
    %add3A_106 = arith.addf %dot_general3A_101, %add3A_105 : vector<512x512xf32>
    %get3A_107 = arith.constant 0 : index
    %get3A_108 = arith.constant 0 : index
    %get3A_109 = vector.load %arg15[%get3A_107, %get3A_108] : memref<1x512xf32, #tpu.memory_space<vmem>>, vector<1x512xf32>
    %mul3A_110 = vector.broadcast %get3A_109 : vector<1x512xf32> to vector<512x512xf32>
    %mul3A_111 = arith.mulf %mul3A_110, %mul3A_96 : vector<512x512xf32>
    %add3A_112 = arith.addf %add3A_106, %mul3A_111 : vector<512x512xf32>
    %get3A_113 = arith.constant 0 : index
    %get3A_114 = arith.constant 0 : index
    %get3A_115 = vector.load %arg14[%get3A_113, %get3A_114] : memref<1x512xf32, #tpu.memory_space<vmem>>, vector<1x512xf32>
    %add3A_116 = vector.broadcast %get3A_115 : vector<1x512xf32> to vector<512x512xf32>
    %add3A_117 = arith.addf %add3A_112, %add3A_116 : vector<512x512xf32>
    %logistic3A_118 = arith.negf %add3A_117 : vector<512x512xf32>
    %logistic3A_119 = math.exp %logistic3A_118 : vector<512x512xf32>
    %logistic3A_120 = arith.constant 1.000000e+00 : f32
    %logistic3A_121 = vector.broadcast %logistic3A_120 : f32 to vector<512x512xf32>
    %logistic3A_122 = arith.addf %logistic3A_121, %logistic3A_119 : vector<512x512xf32>
    %logistic3A_123 = arith.divf %logistic3A_121, %logistic3A_122 : vector<512x512xf32>
    %tanh3A_124 = math.tanh %mul3A_96 : vector<512x512xf32>
    %mul3A_125 = arith.mulf %logistic3A_123, %tanh3A_124 : vector<512x512xf32>
    %get3A_126 = arith.constant 0 : index
    %get3A_127 = arith.constant 0 : index
    %get3A_128 = vector.load %arg16[%get3A_126, %get3A_127] : memref<512x512xf32, #tpu.memory_space<vmem>>, vector<512x512xf32>
    %dot_general3A_129 = arith.constant dense<0.000000e+00> : vector<512x512xf32>
    %dot_general3A_130 = tpu.matmul %mul3A_125, %get3A_128, %dot_general3A_129 {dimension_numbers = #tpu.dot_dimension_numbers<[1], [0], [0], [1], [0, 0, 1, 1], [], []>, transpose_lhs_hint = false} : vector<512x512xf32>, vector<512x512xf32>, vector<512x512xf32> -> vector<512x512xf32>
    %get3A_131 = arith.constant 0 : index
    %get3A_132 = arith.constant 0 : index
    %get3A_133 = vector.load %arg19[%get3A_131, %get3A_132] : memref<1x512xf32, #tpu.memory_space<vmem>>, vector<1x512xf32>
    %add3A_134 = vector.broadcast %get3A_133 : vector<1x512xf32> to vector<512x512xf32>
    %add3A_135 = arith.addf %dot_general3A_130, %add3A_134 : vector<512x512xf32>
    %get3A_136 = arith.constant 0 : index
    %get3A_137 = arith.constant 0 : index
    %get3A_138 = vector.load %arg22[%get3A_136, %get3A_137] : memref<1x512xf32, #tpu.memory_space<vmem>>, vector<1x512xf32>
    %add3A_139 = vector.broadcast %get3A_138 : vector<1x512xf32> to vector<512x512xf32>
    %add3A_140 = arith.addf %add3A_135, %add3A_139 : vector<512x512xf32>
    %logistic3A_141 = arith.negf %add3A_140 : vector<512x512xf32>
    %logistic3A_142 = math.exp %logistic3A_141 : vector<512x512xf32>
    %logistic3A_143 = arith.constant 1.000000e+00 : f32
    %logistic3A_144 = vector.broadcast %logistic3A_143 : f32 to vector<512x512xf32>
    %logistic3A_145 = arith.addf %logistic3A_144, %logistic3A_142 : vector<512x512xf32>
    %logistic3A_146 = arith.divf %logistic3A_144, %logistic3A_145 : vector<512x512xf32>
    %get3A_147 = arith.constant 0 : index
    %get3A_148 = arith.constant 0 : index
    %get3A_149 = vector.load %arg17[%get3A_147, %get3A_148] : memref<512x512xf32, #tpu.memory_space<vmem>>, vector<512x512xf32>
    %dot_general3A_150 = arith.constant dense<0.000000e+00> : vector<512x512xf32>
    %dot_general3A_151 = tpu.matmul %mul3A_125, %get3A_149, %dot_general3A_150 {dimension_numbers = #tpu.dot_dimension_numbers<[1], [0], [0], [1], [0, 0, 1, 1], [], []>, transpose_lhs_hint = false} : vector<512x512xf32>, vector<512x512xf32>, vector<512x512xf32> -> vector<512x512xf32>
    %get3A_152 = arith.constant 0 : index
    %get3A_153 = arith.constant 0 : index
    %get3A_154 = vector.load %arg20[%get3A_152, %get3A_153] : memref<1x512xf32, #tpu.memory_space<vmem>>, vector<1x512xf32>
    %add3A_155 = vector.broadcast %get3A_154 : vector<1x512xf32> to vector<512x512xf32>
    %add3A_156 = arith.addf %dot_general3A_151, %add3A_155 : vector<512x512xf32>
    %get3A_157 = arith.constant 0 : index
    %get3A_158 = arith.constant 0 : index
    %get3A_159 = vector.load %arg23[%get3A_157, %get3A_158] : memref<1x512xf32, #tpu.memory_space<vmem>>, vector<1x512xf32>
    %add3A_160 = vector.broadcast %get3A_159 : vector<1x512xf32> to vector<512x512xf32>
    %add3A_161 = arith.addf %add3A_156, %add3A_160 : vector<512x512xf32>
    %tanh3A_162 = math.tanh %add3A_161 : vector<512x512xf32>
    %mul3A_163 = arith.mulf %logistic3A_146, %tanh3A_162 : vector<512x512xf32>
    %get3A_164 = arith.constant 0 : index
    %get3A_165 = arith.constant 0 : index
    %get3A_166 = vector.load %arg18[%get3A_164, %get3A_165] : memref<512x512xf32, #tpu.memory_space<vmem>>, vector<512x512xf32>
    %dot_general3A_167 = arith.constant dense<0.000000e+00> : vector<512x512xf32>
    %dot_general3A_168 = tpu.matmul %mul3A_125, %get3A_166, %dot_general3A_167 {dimension_numbers = #tpu.dot_dimension_numbers<[1], [0], [0], [1], [0, 0, 1, 1], [], []>, transpose_lhs_hint = false} : vector<512x512xf32>, vector<512x512xf32>, vector<512x512xf32> -> vector<512x512xf32>
    %get3A_169 = arith.constant 0 : index
    %get3A_170 = arith.constant 0 : index
    %get3A_171 = vector.load %arg21[%get3A_169, %get3A_170] : memref<1x512xf32, #tpu.memory_space<vmem>>, vector<1x512xf32>
    %add3A_172 = vector.broadcast %get3A_171 : vector<1x512xf32> to vector<512x512xf32>
    %add3A_173 = arith.addf %dot_general3A_168, %add3A_172 : vector<512x512xf32>
    %get3A_174 = arith.constant 0 : index
    %get3A_175 = arith.constant 0 : index
    %get3A_176 = vector.load %arg25[%get3A_174, %get3A_175] : memref<1x512xf32, #tpu.memory_space<vmem>>, vector<1x512xf32>
    %mul3A_177 = vector.broadcast %get3A_176 : vector<1x512xf32> to vector<512x512xf32>
    %mul3A_178 = arith.mulf %mul3A_177, %mul3A_163 : vector<512x512xf32>
    %add3A_179 = arith.addf %add3A_173, %mul3A_178 : vector<512x512xf32>
    %get3A_180 = arith.constant 0 : index
    %get3A_181 = arith.constant 0 : index
    %get3A_182 = vector.load %arg24[%get3A_180, %get3A_181] : memref<1x512xf32, #tpu.memory_space<vmem>>, vector<1x512xf32>
    %add3A_183 = vector.broadcast %get3A_182 : vector<1x512xf32> to vector<512x512xf32>
    %add3A_184 = arith.addf %add3A_179, %add3A_183 : vector<512x512xf32>
    %logistic3A_185 = arith.negf %add3A_184 : vector<512x512xf32>
    %logistic3A_186 = math.exp %logistic3A_185 : vector<512x512xf32>
    %logistic3A_187 = arith.constant 1.000000e+00 : f32
    %logistic3A_188 = vector.broadcast %logistic3A_187 : f32 to vector<512x512xf32>
    %logistic3A_189 = arith.addf %logistic3A_188, %logistic3A_186 : vector<512x512xf32>
    %logistic3A_190 = arith.divf %logistic3A_188, %logistic3A_189 : vector<512x512xf32>
    %tanh3A_191 = math.tanh %mul3A_163 : vector<512x512xf32>
    %mul3A_192 = arith.mulf %logistic3A_190, %tanh3A_191 : vector<512x512xf32>
    %max3A_193 = arith.constant 0.000000e+00 : f32
    %max3A_194 = vector.broadcast %max3A_193 : f32 to vector<512x512xf32>
    %max3A_195 = arith.maximumf %mul3A_192, %max3A_194 : vector<512x512xf32>
    %get3A_196 = arith.constant 0 : index
    %get3A_197 = arith.constant 0 : index
    %get3A_198 = vector.load %arg26[%get3A_196, %get3A_197] : memref<512x128xf32, #tpu.memory_space<vmem>>, vector<512x128xf32>
    %dot_general3A_199 = arith.constant dense<0.000000e+00> : vector<512x128xf32>
    %dot_general3A_200 = tpu.matmul %max3A_195, %get3A_198, %dot_general3A_199 {dimension_numbers = #tpu.dot_dimension_numbers<[1], [0], [0], [1], [0, 0, 1, 1], [], []>, transpose_lhs_hint = false} : vector<512x512xf32>, vector<512x128xf32>, vector<512x128xf32> -> vector<512x128xf32>
    %get3A_201 = arith.constant 0 : index
    %get3A_202 = arith.constant 0 : index
    %get3A_203 = vector.load %arg27[%get3A_201, %get3A_202] : memref<1x128xf32, #tpu.memory_space<vmem>>, vector<1x128xf32>
    %add3A_204 = vector.broadcast %get3A_203 : vector<1x128xf32> to vector<512x128xf32>
    %add3A_205 = arith.addf %dot_general3A_200, %add3A_204 : vector<512x128xf32>
    %swap3A = arith.constant 0 : index
    %swap3A_206 = arith.constant 0 : index
    %swap3A_207 = vector.load %arg28[%swap3A, %swap3A_206] : memref<512x128xf32, #tpu.memory_space<vmem>>, vector<512x128xf32>
    tpu.vector_store %arg28[%swap3A, %swap3A_206], %add3A_205 {strides = array<i32>} : memref<512x128xf32, #tpu.memory_space<vmem>>, vector<512x128xf32>,
    return
  }
}

</mosaic_0001>

<sc_bundles>
// kernel: edge_count_scatter.3.cloned.1.call-start
scs
__scs_entry_jumppad:
0x0: {  	(pc) =	sbr.rel $0x88, $3  }
0x1: {  	(tag) =	ssettag $0x0;
	lr =	simm.s32 $0x1  }
0x2: {  	[smem:$0x3F85] =	sst lr;
	_ =	strace $0xD0000000  }
0x3: {  	_ = 	snop  }
0x4: {  	_ = 	snop  }
0x5: {  	_ = 	snop  }
0x6: {  	_ = 	snop  }
0x7: {  	_ = 	snop  }
__scs_overlays_trampoline_lowered:
0x8: {  	[smem:$0x3F94] =	sst s0  }
0x9: {  	[smem:$0x3F95] =	sst s1  }
0xa: {  	[smem:$0x3F96] =	sst s2  }
0xb: {  	[smem:$0x3F97] =	sst s3  }
0xc: {  	[smem:$0x3F98] =	sst s4  }
0xd: {  	[smem:$0x3F99] =	sst s5  }
0xe: {  	[smem:$0x3F9A] =	sst s6  }
0xf: {  	[smem:$0x3F9B] =	sst s7  }
0x10: {  	[smem:$0x3F9C] =	sst s8  }
0x11: {  	[smem:$0x3F9D] =	sst s9;
	s0 =	simm.s32 @!p0 $0x0  }
0x12: {  	s1 =	sld [smem:$0x3F83];
	s0 =	simm.s32 @p0 $0x1  }
0x13: {  	[smem:$0x3F9E] =	sst s0;
	s0 =	simm.s32 @!p1 $0x0  }
0x14: {  	s2 =	sld [smem:$0x3F82];
	s0 =	simm.s32 @p1 $0x1  }
0x15: {  	[smem:$0x3F9F] =	sst s0;
	s0 =	simm.s32 @!p2 $0x0  }
0x16: {  	s3 =	sld [smem:$0x3FDB];
	s0 =	simm.s32 @p2 $0x1  }
0x17: {  	s4 =	simm.s32 $0x1BF5;
	[smem:$0x3FA1] =	sst s0  }
0x18: {  	s0 =	sld [smem:$0x3F84];
	_ =	swait.ge [sflag:s4], $0x0  }
0x19: {  	s7 =	sld [smem:$0x3F85]  }
0x1a: {  	s8 =	sadd.s32 $0xFFFFE003, lr  }
0x1b: {  	s9 =	sadd.s32 $0xFFFFFEF7, lr;
	s5 =	simm.s32 $0xFFFFFFFF;
	p2 =	slt.u32 s8, $0xFFFFF086  }
0x1c: {  	p1 =	slt.u32 s9, $0xF7A;
	s5 =	simm.s32 @!p2 $0x0  }
0x1d: {  	s5 =	simm.s32 @p1 $0x1;
	p0 =	seq.s32 s7, s2  }
0x1e: {  	s7 =	smul.u32 @!p0 $0xF7A, s2;
	p2 =	seq.s32 @!p0 s5, $0x0  }
0x1f: {  	s9 =	smul.u32 $0xF7A, s1;
	s8 =	simm.s32 @!p0 $0x1BF5;
	p2 =	por !p2, p0  }
0x20: {  	[sflag:s8] =	ssyncset.s32 @!p0 $0xFFFFF086;
	s6 =	sadd.s32 @!p0 s3, s7;
	s7 =	simm.s32 @!p0 $0x108  }
0x21: {  	s3 =	sadd.s32 s3, s9;
	s6 =	sadd.s32 @!p0 $0x88, s6;
	s7 =	simm.s32 @p2 $0x1082  }
0x22: {  	[simem:s7], [sflag:s8] =	dma.local @!p0 [hbm:s6], $0xF7A  }
0x23: {  	s9 =	sor.u32 $0xD0000000, s2;
	s6 =	simm.s32 $0x108;
	_ =	swait.ge @!p0 [sflag:s8], $0x0  }
0x24: {  	s3 =	sadd.s32 $0x88, s3;
	s6 =	simm.s32 @!p1 $0x1082;
	[sflag:s4] =	ssyncset.s32 $0xFFFFF086  }
0x25: {  	[simem:s6], [sflag:s4] =	dma.local [hbm:s3], $0xF7A  }
0x26: {  	[smem:$0x3F85] =	sst s1;
	(tag) =	ssettag s2;
	_ =	strace s9  }
0x27: {  	s1 =	sld [smem:$0x3F95]  }
0x28: {  	s2 =	sld [smem:$0x3F96]  }
0x29: {  	s4 =	sld [smem:$0x3F98]  }
0x2a: {  	p0 =	seq.s32 s5, $0x0;
	s5 =	sld [smem:$0x3F99]  }
0x2b: {  	s6 =	sld [smem:$0x3F9A]  }
0x2c: {  	s7 =	sld [smem:$0x3F9B]  }
0x2d: {  	s3 =	simm.s32 $0x108;
	s8 =	sld [smem:$0x3F9C]  }
0x2e: {  	s3 =	simm.s32 @!p0 $0x1082;
	s9 =	sld [smem:$0x3F9D]  }
0x2f: {  	lr =	sadd.s32 s0, s3;
	s0 =	sld [smem:$0x3F94]  }
0x30: {  	s3 =	sld [smem:$0x3F97]  }
0x31: {  	[smem:$0x3FA0] =	sst s10  }
0x32: {  	s10 =	sld [smem:$0x3F9E];
	_ =	sdelay $0x3  }
0x33: {  	p0 =	seq.s32 s10, $0x1;
	s10 =	sld [smem:$0x3FA0];
	_ =	sdelay $0x3  }
0x34: {  	[smem:$0x3FA0] =	sst s10  }
0x35: {  	s10 =	sld [smem:$0x3F9F];
	_ =	sdelay $0x3  }
0x36: {  	p1 =	seq.s32 s10, $0x1;
	s10 =	sld [smem:$0x3FA0];
	_ =	sdelay $0x3  }
0x37: {  	[smem:$0x3FA0] =	sst s10  }
0x38: {  	s10 =	sld [smem:$0x3FA1]  }
0x39: {  	_ = 	snop;
	(pc) =	sbr.ind lr, $3  }
0x3a: {  	_ = 	snop  }
0x3b: {  	_ = 	snop  }
0x3c: {  	p2 =	seq.s32 s10, $0x1;
	s10 =	sld [smem:$0x3FA0]  }
0x3d: {  	_ =	shalt  }
0x3e: {  	_ =	shalt  }
0x3f: {  	_ =	shalt  }
0x40: {  	_ =	shalt  }
0x41: {  	_ =	shalt  }
0x42: {  	_ =	shalt  }
0x43: {  	_ =	shalt  }
0x44: {  	_ =	shalt  }
0x45: {  	_ =	shalt  }
0x46: {  	_ =	shalt  }
0x47: {  	_ =	shalt  }
0x48: {  	_ =	shalt  }
0x49: {  	_ =	shalt  }
0x4a: {  	_ =	shalt  }
0x4b: {  	_ =	shalt  }
0x4c: {  	_ =	shalt  }
0x4d: {  	_ =	shalt  }
0x4e: {  	_ =	shalt  }
0x4f: {  	_ =	shalt  }
0x50: {  	_ =	shalt  }
0x51: {  	_ =	shalt  }
0x52: {  	_ =	shalt  }
0x53: {  	_ =	shalt  }
0x54: {  	_ =	shalt  }
0x55: {  	_ =	shalt  }
0x56: {  	_ =	shalt  }
0x57: {  	_ =	shalt  }
0x58: {  	_ =	shalt  }
0x59: {  	_ =	shalt  }
0x5a: {  	_ =	shalt  }
0x5b: {  	_ =	shalt  }
0x5c: {  	_ =	shalt  }
0x5d: {  	_ =	shalt  }
0x5e: {  	_ =	shalt  }
0x5f: {  	_ =	shalt  }
0x60: {  	_ =	shalt  }
0x61: {  	_ =	shalt  }
0x62: {  	_ =	shalt  }
0x63: {  	_ =	shalt  }
0x64: {  	_ =	shalt  }
0x65: {  	_ =	shalt  }
0x66: {  	_ =	shalt  }
0x67: {  	_ =	shalt  }
0x68: {  	_ =	shalt  }
0x69: {  	_ =	shalt  }
0x6a: {  	_ =	shalt  }
0x6b: {  	_ =	shalt  }
0x6c: {  	_ =	shalt  }
0x6d: {  	_ =	shalt  }
0x6e: {  	_ =	shalt  }
0x6f: {  	_ =	shalt  }
0x70: {  	_ =	shalt  }
0x71: {  	_ =	shalt  }
0x72: {  	_ =	shalt  }
0x73: {  	_ =	shalt  }
0x74: {  	_ =	shalt  }
0x75: {  	_ =	shalt  }
0x76: {  	_ =	shalt  }
0x77: {  	_ =	shalt  }
0x78: {  	_ =	shalt  }
0x79: {  	_ =	shalt  }
0x7a: {  	_ =	shalt  }
0x7b: {  	_ =	shalt  }
0x7c: {  	_ =	shalt  }
0x7d: {  	_ =	shalt  }
0x7e: {  	_ =	shalt  }
0x7f: {  	_ =	shalt  }
0x80: {  	_ =	shalt  }
0x81: {  	_ =	shalt  }
0x82: {  	_ =	shalt  }
0x83: {  	_ =	shalt  }
0x84: {  	_ =	shalt  }
0x85: {  	_ =	shalt  }
0x86: {  	_ =	shalt  }
0x87: {  	_ =	shalt  }
.Lfunc_end0:
.L_simem_size_0:
called_computation_lowered:
.L_overlay_start_0:
0x88: {  	s2 =	sld [smem:$0x3FD9]  }
0x89: {  	s3 =	sld [smem:$0x3FFE];
	_ =	sdelay $0x1  }
0x8a: {  	s1 =	srdreg.scid  }
0x8b: {  	s0 =	sand.u32 $0x1, s1  }
0x8c: {  	s16 =	sshll.u32 s0, $0xA;
	s2 =	sadd.s32 s3, s2  }
0x8d: {  	s2 =	sadd.s32 s2, s16  }
0x8e: {  	[smem:$0x3FAC] =	sst s2  }
0x8f: {  	_ = 	snop  }
0x90: {  	(tm) =	ssettm $0x1  }
0x91: {  	s17 =	sld [smem:$0x3FFB];
	_ =	sdelay $0x3  }
0x92: {  	_ =	strace s17  }
0x93: {  	s2 =	sld [smem:$0x3FFC];
	_ =	sdelay $0x3  }
0x94: {  	_ =	strace s2  }
0x95: {  	s2 =	sld [smem:$0x3FFD];
	_ =	sdelay $0x3  }
0x96: {  	_ =	strace s2  }
0x97: {  	_ =	strace $0x8FFFFFFF  }
0x98: {  	s18 =	sld [smem:$0x3FDB];
	_ =	sdelay $0x1  }
0x99: {  	s19 =	simm.s32 $_scs_section_size  }
0x9a: {  	s4 =	simm.s32 $_size__tile_overlayer_lowered;
	s5 =	simm.s32 $_tile_overlayer_lowered  }
0x9b: {  	s22 =	simm.s32 $0x1BFF;
	s21 =	sshll.u32 s5, $0x1;
	s2 =	sadd.s32 s19, s18  }
0x9c: {  	s6 =	simm.s32 $0x0;
	s20 =	sshll.u32 s4, $0x1;
	s4 =	sadd.s32 s21, s2  }
0x9d: {  	[timem:s6], [sflag:s22] =	dma.local [hbm:s4], s20  }
0x9e: {  	_ =	swait.ge [sflag:s22], s20  }
0x9f: {  	s3 =	ssub.s32 $0x0, s20;
	[sflag:s22] =	ssyncset.done $0x0  }
0xa0: {  	[sflag:s22] =	ssyncadd.s32 s3;
	_ =	sdelay $0x1  }
0xa1: {  	s23 =	simm.s32 $0x1B8B  }
0xa2: {  	_ =	swait.ge [sflag:s23], $0x1  }
0xa3: {  	[sflag:s23] =	ssyncset.done $0x0  }
0xa4: {  	s25 =	simm.s32 $0x1B8E;
	s24 =	sld [smem:$0x3FFE];
	[sflag:s23] =	ssyncadd.s32 $0xFFFFFFFF  }
0xa5: {  	s26 =	simm.s32 $execute0_lowered;
	[smem:$0x3FD2] =	sst s25  }
0xa6: {  	s4 =	sshll.u32 s26, $0x1;
	_ =	strace $0x80000046;
	[dreg:$0x1] =	wrdreg $0xFFFFFFFF  }
0xa7: {  	s28 =	simm.s32 $_size_execute0_lowered;
	s2 =	sadd.s32 s2, s4;
	[dreg:$0x0] =	wrdreg $0x0  }
0xa8: {  	s4 =	sshll.u32 s28, $0x1;
	[dreg:$0x2] =	wrdreg s2  }
0xa9: {  	[dreg:$0x3] =	wrdreg s4  }
0xaa: {  	[dreg:$0x4] =	wrdreg $0xC0  }
0xab: {  	_ =	task [dreg:s6], $0x5FFFF  }
0xac: {  	[dreg:$0x1] =	wrdreg $0xFFFFFFFF  }
0xad: {  	[dreg:$0x0] =	wrdreg $0x60  }
0xae: {  	[dreg:$0x2] =	wrdreg s24  }
0xaf: {  	[dreg:$0x3] =	wrdreg $0x30800  }
0xb0: {  	[dreg:$0x4] =	wrdreg $0x9  }
0xb1: {  	_ =	task.clear_ibuf [dreg:s6], $0x5FFFF;
	_ =	strace $0x90000046  }
0xb2: {  	s29 =	simm.s32 $0x9;
	_ =	strace $0x80000048  }
0xb3: {  	_ =	swait.ge [sflag:s29], $0x1  }
0xb4: {  	[sflag:s29] =	ssyncadd.s32 $0xFFFFFFFF  }
0xb5: {  	_ =	strace $0x90000048  }
0xb6: {  	_ =	sfence  }
0xb7: {  	s30 =	sld [smem:$0x0];
	_ =	sdelay $0x2  }
0xb8: {  	s31 =	sshll.u32 s1, $0xD;
	s1 =	sshrl.u32 s1, $0x2  }
0xb9: {  	s3 =	sand.u32 $0x4000, s31;
	s1 =	sadd.s32 s1, s30  }
0xba: {  	s0 =	sor.u32 s3, s0;
	s1 =	sshll.u32 s1, $0x11  }
0xbb: {  	s0 =	sor.u32 s1, s0  }
0xbc: {  	s0 =	sadd.s32 $0x8F2B, s0  }
0xbd: {  	[sflag:s0] =	ssyncadd.remote.s32 $0x1  }
0xbe: {  	_ =	sfence.sel $0xFFFF  }
0xbf: {  	[dreg:$0x0] =	wrdreg $0xFFFFFFFF;
	(pc) =	sbr.abs _section_cstart, $3  }
0xc0: {  	[dreg:$0x1] =	wrdreg $0xFFFFFFFF  }
0xc1: {  	_ =	task.clear_ibuf [dreg:s6], $0x2FFFF;
	_ =	strace $0x9FFFFFFF  }
0xc2: {  	(tm) =	ssettm $0x7FFFFFFF  }
0xc3: {  	_ =	shalt  }
tec
execute0_lowered:
.L_overlay_start_1:
0x0: {  	(tag) =	ssettag $0x1  }
0x1: {  	s4 =	rddreg [dreg:$0x0]  }
0x2: {  	s2 =	rddreg [dreg:$0x1]  }
0x3: {  	s0 =	rddreg [dreg:$0x2];
	s5 =	srdreg.scid  }
0x4: {  	s3 =	simm.s32 $0x0;
	s1 =	stileid.u32;
	s13 =	simm.s32 $0x80  }
0x5: {  	s14 =	simm.s32 $0x3000;
	s15 =	simm.s32 $0x0;
	s5 =	sand.u32 $0x1, s5  }
0x6: {  	[smem:$0x7FF] =	sst s3;
	s6 =	sshll.u32 s1, $0xA;
	s26 =	sshll.u32 s1, $0xE  }
0x7: {  	s29 =	sshll.u32 s1, $0xB;
	s31 =	sshll.u32 s1, $0x6;
	s7 =	sshll.u32 s5, $0x9  }
0x8: {  	s8 =	sshll.u32 s5, $0x12;
	_ =	strace $0x80000047;
	s5 =	ssub.s32 $0x2, s5  }
0x9: {  	s12 =	sadd.s32 s26, s2;
	s6 =	sor.u32 s7, s6;
	s28 =	sor.u32 s26, s8  }
0xa: {  	s8 =	sadd.s32 s29, s4;
	s30 =	sshrl.u32 s5, $0x1;
	s9 =	sadd.s32 s6, s4  }
0xb: {  	s6 =	sshrl.u32 s28, $0x3;
	s11 =	ssub.s32 s5, s30;
	s5 =	sor.u32 $0x1C01, s31  }
0xc: {  	s10 =	sadd.s32 s6, s4;
	s4 =	sadd.s32 $0xBC00, s8;
	s6 =	sadd.s32 $0x7C00, s9  }
0xd: {  	s7 =	sadd.s32 $0x3C00, s9;
	s9 =	smax.u32 s11, $0x1;
	s11 =	simm.s32 $0x1  }
0xe: {  	v0 =	vimm.f32 $1.000000000e+00;
	s8 =	sadd.s32 $0x13C00, s10;
	s10 =	sshrl.u32 s12, $0x3;
	s12 =	simm.s32 $0x1000  }
.LBB2_1:
0xf: {  	[spmem:s10], [sflag:s5] =	dma.local [hbm:s4], $0x800  }
0x10: {  	_ =	swait.ge [sflag:s11], $0x800  }
0x11: {  	[sflag:s11] =	ssyncset.done $0x0  }
0x12: {  	[sflag:s11] =	ssyncadd.s32 $0xFFFFF800  }
0x13: {  	[tilespmem:s3], [sflag:$0x1] =	stream.linear.gather [hbm4b:s6+s3], $0x1000, $0x38;
	[tilespmem:$0x7080] =	vst v63  }
0x14: {  	_ =	swait.ge [sflag:s11], $0x1000  }
0x15: {  	[sflag:s11] =	ssyncset.done $0x0  }
0x16: {  	[sflag:s11] =	ssyncadd.s32 $0xFFFFF000  }
0x17: {  	[tilespmem:s12], [sflag:$0x1] =	stream.linear.gather [hbm4b:s7+s3], $0x1000, $0x38;
	[tilespmem:$0x7080] =	vst v63  }
0x18: {  	_ =	swait.ge [sflag:s11], $0x1000  }
0x19: {  	[sflag:s11] =	ssyncset.done $0x0  }
0x1a: {  	[sflag:s11] =	ssyncadd.s32 $0xFFFFF000  }
0x1b: {  	[tilespmem:$0x3000] =	vst v0  }
0x1c: {  	[tilespmem:$0x3010] =	vst v0  }
0x1d: {  	[tilespmem:$0x3020] =	vst v0  }
0x1e: {  	[tilespmem:$0x3030] =	vst v0  }
0x1f: {  	[tilespmem:$0x3040] =	vst v0  }
0x20: {  	[tilespmem:$0x3050] =	vst v0  }
0x21: {  	[tilespmem:$0x3060] =	vst v0  }
0x22: {  	s16 =	simm.s32 $0x0;
	[tilespmem:$0x3070] =	vst v0  }
0x23: {  	v1 =	vld [tilespmem:s16+$0x1000]  }
0x24: {  	v2 =	vld [tilespmem:s16+$0x0];
	_ =	sdelay $0x2  }
0x25: {  	s31 =	sand.u32 $0x3E00, s3  }
0x26: {  	s17 =	sand.u32 $0x70, s3;
	s18 =	sshrl.u32 s31, $0x2;
	v1 =	vshll.u32 v1, $0x9  }
0x27: {  	s19 =	simm.s32 $0x10;
	s17 =	sor.u32 s17, s18;
	v1 =	vadd.s32 v2, v1  }
0x28: {  	s18 =	simm.s32 $0x80;
	s16 =	simm.s32 $0x40;
	[tilespmem:s17+$0x2000] =	vst v1;
	s17 =	simm.s32 $0x0  }
.LBB2_2:
0x29: {  	p0 =	sne.s32 s18, $0x3FC0;
	v1 =	vld [tilespmem:s19+$0x1000]  }
0x2a: {  	v2 =	vld [tilespmem:s19+$0x0];
	_ =	sdelay $0x1  }
.Ltmp0:
0x2b: {  	(pc) =	sbr.rel @p0 .LBB2_2-.Ltmp0, $4  }
0x2c: {  	s17 =	sadd.s32 $0x10, s17;
	s19 =	sand.u32 $0x3E00, s16;
	s16 =	smov.u32 s18  }
0x2d: {  	s20 =	sand.u32 $0x70, s17;
	s19 =	sshrl.u32 s19, $0x2;
	v1 =	vshll.u32 v1, $0x9  }
0x2e: {  	s20 =	sor.u32 s20, s19;
	v1 =	vadd.s32 v2, v1  }
0x2f: {  	s18 =	sadd.s32 $0x40, s18;
	s19 =	sshra.s32 s16, $0x2;
	[tilespmem:s20+$0x2000] =	vst v1  }
0x30: {  	v1 =	vld [tilespmem:s19+$0x1000]  }
0x31: {  	v2 =	vld [tilespmem:s19+$0x0];
	_ =	sdelay $0x2  }
0x32: {  	s16 =	sand.u32 $0x3E00, s16;
	s17 =	sadd.s32 $0x10, s17  }
0x33: {  	s17 =	sand.u32 $0x70, s17;
	s16 =	sshrl.u32 s16, $0x2;
	v1 =	vshll.u32 v1, $0x9  }
0x34: {  	s16 =	sor.u32 s17, s16;
	v1 =	vadd.s32 v2, v1  }
0x35: {  	[tilespmem:s16+$0x2000] =	vst v1  }
0x36: {  	s31 =	simm.s32 $0x2000;
	[bflag:$0x0] =	sbarrier.arrive $0xFFFF  }
0x37: {  	[spmem:s2] =	stream.indirect.scatter.add.f32 [tilespmem:s14], [sflag:$0x1], $0x1, s31, s13, $0xb8;
	[tilespmem:$0x7080] =	vst v63  }
0x38: {  	s16 =	simm.s32 $0x200;
	_ =	swait.ge [sflag:s11], $0x80  }
.LBB2_4:
0x39: {  	s17 =	sshra.s32 s16, $0x2;
	[sflag:s11] =	ssyncset.done $0x0;
	p0 =	sne.s32 s16, $0x3E00  }
.Ltmp1:
0x3a: {  	s17 =	sadd.s32 $0x2000, s17;
	[sflag:s11] =	ssyncadd.s32 $0xFFFFFF80;
	(pc) =	sbr.rel @p0 .LBB2_4-.Ltmp1, $3  }
0x3b: {  	[spmem:s2] =	stream.indirect.scatter.add.f32 [tilespmem:s14], [sflag:$0x1], $0x1, s17, s13, $0xb8;
	[tilespmem:$0x7080] =	vst v63  }
0x3c: {  	s16 =	sadd.s32 $0x200, s16;
	_ =	sdelay $0x1  }
0x3d: {  	_ =	swait.ge [sflag:s11], $0x80  }
0x3e: {  	[sflag:s11] =	ssyncset.done $0x0;
	s15 =	sadd.s32 $0x1, s15  }
0x3f: {  	[sflag:s11] =	ssyncadd.s32 $0xFFFFFF80;
	p0 =	sne.s32 s15, s9  }
.Ltmp2:
0x40: {  	[bflag:$0x0] =	sbarrier.arrive $0xFFFF;
	(pc) =	sbr.rel @p0 .LBB2_1-.Ltmp2, $4  }
0x41: {  	[hbm:s8], [sflag:s5] =	dma.local [spmem:s10], $0x800  }
0x42: {  	_ =	swait.ge [sflag:s11], $0x800  }
0x43: {  	[sflag:s11] =	ssyncset.done $0x0  }
0x44: {  	[sflag:s11] =	ssyncadd.s32 $0xFFFFF800  }
0x45: {  	_ =	sfence.sel $0x180000  }
0x46: {  	[bflag:$0x0] =	sbarrier.arrive $0xFFFF  }
0x47: {  	p0 =	sne.s32 s1, $0x0;
	_ =	strace $0x90000047  }
0x48: {  	s0 =	sadd.s32 @!p0 $0x100000, s0;
	[bflag:$0x2] =	sbarrier.arrive $0xFFFF  }
0x49: {  	[sflag:s0] =	ssyncadd.tile.s32 @!p0 $0x1;
	_ =	shalt  }
.Lfunc_end2:
_tile_overlayer_lowered:
.L_overlay_start_2:
0x4a: {  	(tag) =	ssettag $0x2  }
0x4b: {  	s0 =	rddreg [dreg:$0x0];
	s2 =	stileid.u32  }
0x4c: {  	s1 =	rddreg [dreg:$0x1];
	p0 =	sne.s32 s2, $0x0  }
0x4d: {  	s3 =	rddreg [dreg:$0x2];
	[bflag:$0x3] =	sbarrier.arrive $0xFFFF;
	s2 =	simm.s32 @!p0 $0x1C01  }
0x4e: {  	[timem:s3], [sflag:s2] =	dma.local @!p0 [hbm:s0], s1  }
0x4f: {  	s0 =	simm.s32 @!p0 $0x1  }
0x50: {  	_ =	swait.ge @!p0 [sflag:s0], s1  }
0x51: {  	s1 =	ssub.s32 @!p0 $0x0, s1;
	[sflag:s0] =	ssyncset.done @!p0 $0x0  }
0x52: {  	[sflag:s0] =	ssyncadd.s32 @!p0 s1  }
0x53: {  	[bflag:$0x3] =	sbarrier.arrive $0xFFFF  }
0x54: {  	_ =	shalt  }

</sc_bundles>
